<compile_context>
chip_gen: v7x
topology: tpu7x:2x2x1
jax: 0.10.2.dev20260603
libtpu: 0.0.44.dev20260713+nightly
codegen_flags: <defaults>
</compile_context>

<pallas_src>
import jax
import jax.numpy as jnp
from jax import lax
from jax.experimental import pallas as pl
from jax.experimental.pallas import tpu as pltpu
from jax.experimental.pallas import tpu_sc as plsc

NUM_CORES = 2
NUM_SUBCORES = 16
NUM_WORKERS = NUM_CORES * NUM_SUBCORES

B_PER_W = 512
CHUNK = 256
N_CHUNKS = B_PER_W // CHUNK
DIM = 64
LANES = 16


def _glove_body(idx_hbm, wi_hbm, wj_hbm, out_hbm,
                idx_sh, idx_s, rows_a, rows_b, sem_a, sem_b):
    wid = lax.axis_index("s") * NUM_CORES + lax.axis_index("c")
    base = wid * B_PER_W
    pltpu.sync_copy(idx_hbm.at[pl.ds(base, B_PER_W)], idx_sh.at[wid])
    pltpu.sync_copy(idx_sh.at[wid], idx_s)

    for ch in range(N_CHUNKS):
        def fire(i, _):
            r = idx_s[ch * CHUNK + i]
            t = lax.shift_right_logical(r, 3)
            s = lax.rem(r, 8)
            pltpu.async_copy(wi_hbm.at[t, s], rows_a.at[i], sem_a)
            pltpu.async_copy(wj_hbm.at[t, s], rows_b.at[i], sem_b)
            return 0

        lax.fori_loop(0, CHUNK, fire, 0)

        dummy = out_hbm.at[pl.ds(base + ch * CHUNK, CHUNK)]
        pltpu.make_async_copy(dummy, rows_a, sem_a).wait()
        pltpu.make_async_copy(dummy, rows_b, sem_b).wait()

        def add(i, _):
            for c in range(DIM // LANES):
                sl = pl.ds(c * LANES, LANES)
                rows_a[i, sl] = rows_a[i, sl] + rows_b[i, sl]
            return 0

        lax.fori_loop(0, CHUNK, add, 0)

        pltpu.sync_copy(rows_a, out_hbm.at[pl.ds(base + ch * CHUNK, CHUNK)])


@jax.jit
def kernel(indices, wi, wj):
    batch = indices.shape[0]
    num_emb, dim = wi.shape
    assert batch == NUM_WORKERS * B_PER_W and dim == DIM

    wi = wi.reshape(num_emb // 8, 8, dim)
    wj = wj.reshape(num_emb // 8, 8, dim)
    mesh = plsc.VectorSubcoreMesh(core_axis_name="c", subcore_axis_name="s")
    run = pl.kernel(
        _glove_body,
        out_type=jax.ShapeDtypeStruct((batch, dim), jnp.float32),
        mesh=mesh,
        scratch_types=[
            pltpu.VMEM_SHARED((NUM_WORKERS, B_PER_W), jnp.int32),
            pltpu.SMEM((B_PER_W,), jnp.int32),
            pltpu.VMEM((CHUNK, DIM), jnp.float32),
            pltpu.VMEM((CHUNK, DIM), jnp.float32),
            pltpu.SemaphoreType.DMA,
            pltpu.SemaphoreType.DMA,
        ],
    )
    return run(indices.astype(jnp.int32), wi, wj)

# --- scband reference (transcript-rebuilt; emitter-appended) ---
"""Pipeline reference for scband-glove-layer-41455024341144 (READ-ONLY COPY).

The authoritative reference and input builder live on the scoring server;
editing this copy changes nothing except your own understanding.
"""

import jax, jax.numpy as jnp
import numpy as np

NUM_EMB = 1000000
EMB_DIM = 64
BATCH = 16384

def setup_inputs(seed: int = 0) -> dict:
    key = jax.random.key(seed)
    k1, k2, k3 = jax.random.split(key, 3)
    wi = jax.random.uniform(k1, (NUM_EMB, EMB_DIM), dtype=jnp.float32, minval=-1.0, maxval=1.0)
    wj = jax.random.uniform(k2, (NUM_EMB, EMB_DIM), dtype=jnp.float32, minval=-1.0, maxval=1.0)
    indices = jax.random.randint(k3, (BATCH,), 0, NUM_EMB, dtype=jnp.int64 if jax.config.read('jax_enable_x64') else jnp.int32)
    return {"indices": indices, "wi": wi, "wj": wj}

def reference(indices, wi, wj):
    # Faithful to torch: weights property adds the two full embedding tables,
    # then gathers rows by index.
    weights = wi + wj
    return jnp.take(weights, indices, axis=0)

if __name__ == "__main__":
    import jax
    _d = setup_inputs()
    print(jax.jit(kernel)(*tuple(_d.values())))

</pallas_src>

<mosaic_0001>
#map = affine_map<(d0, d1) -> (0)>
#map1 = affine_map<(d0, d1) -> (0, 0, 0)>
#map2 = affine_map<(d0, d1) -> (0, 0)>
module attributes {stable_mosaic.version = 14 : i64} {
  func.func @_glove_body(%arg0: i32, %arg1: i32, %arg2: memref<16384xi32, #tpu.memory_space<hbm>>, %arg3: memref<125000x8x64xf32, #tpu.memory_space<hbm>>, %arg4: memref<125000x8x64xf32, #tpu.memory_space<hbm>>, %arg5: memref<16384x64xf32, #tpu.memory_space<hbm>>, %arg6: memref<32x512xi32, #tpu.memory_space<vmem_shared>>, %arg7: memref<512xi32, #tpu.memory_space<smem>>, %arg8: memref<256x64xf32, #tpu.memory_space<vmem>>, %arg9: memref<256x64xf32, #tpu.memory_space<vmem>>, %arg10: memref<!tpu.dma_semaphore, #tpu.memory_space<semaphore_mem>>, %arg11: memref<!tpu.dma_semaphore, #tpu.memory_space<semaphore_mem>>) attributes {dimension_semantics = [#tpu.dimension_semantics<core_parallel>, #tpu.dimension_semantics<subcore_parallel>], iteration_bounds = array<i64: 2, 16>, scalar_prefetch = 0 : i64, scratch_operands = 6 : i64, tpu.core_type = #tpu.core_type<sc_vector_subcore>, window_params = [{transform_indices = #map}, {transform_indices = #map1}, {transform_indices = #map1}, {transform_indices = #map2}]} {
    %mul3A = arith.constant 2 : i32
    %mul3A_0 = arith.muli %arg1, %mul3A : i32
    %add3A = arith.addi %mul3A_0, %arg0 : i32
    %mul3A_1 = arith.constant 512 : i32
    %mul3A_2 = arith.muli %add3A, %mul3A_1 : i32
    "tpu.region"() ({
      %run_scoped3A = tpu.sem_alloc : memref<!tpu.dma_semaphore, #tpu.memory_space<semaphore_mem>>
      %dma_start3A = arith.constant 0 : i32
      %dma_start3A_53 = tpu.memref_slice %arg6[%add3A, %dma_start3A] : memref<32x512xi32, #tpu.memory_space<vmem_shared>> -> memref<1x512xi32, #tpu.memory_space<vmem_shared>>
      %dma_start3A_54 = tpu.memref_squeeze %dma_start3A_53 : memref<1x512xi32, #tpu.memory_space<vmem_shared>> -> memref<512xi32, #tpu.memory_space<vmem_shared>>
      %dma_start3A_55 = tpu.memref_slice %arg2[%mul3A_2] : memref<16384xi32, #tpu.memory_space<hbm>> -> memref<512xi32, #tpu.memory_space<hbm>>
      tpu.enqueue_dma source(%dma_start3A_55 : memref<512xi32, #tpu.memory_space<hbm>>) target(%dma_start3A_54 : memref<512xi32, #tpu.memory_space<vmem_shared>>) target_semaphore(%run_scoped3A : memref<!tpu.dma_semaphore, #tpu.memory_space<semaphore_mem>>)
      %dma_wait3A_56 = arith.constant 0 : i32
      %dma_wait3A_57 = tpu.memref_slice %arg6[%add3A, %dma_wait3A_56] : memref<32x512xi32, #tpu.memory_space<vmem_shared>> -> memref<1x512xi32, #tpu.memory_space<vmem_shared>>
      %dma_wait3A_58 = tpu.memref_squeeze %dma_wait3A_57 : memref<1x512xi32, #tpu.memory_space<vmem_shared>> -> memref<512xi32, #tpu.memory_space<vmem_shared>>
      %dma_wait3A_59 = tpu.memref_slice %arg2[%mul3A_2] : memref<16384xi32, #tpu.memory_space<hbm>> -> memref<512xi32, #tpu.memory_space<hbm>>
      tpu.wait_dma2 semaphore(%run_scoped3A : memref<!tpu.dma_semaphore, #tpu.memory_space<semaphore_mem>>) src(%dma_wait3A_59 : memref<512xi32, #tpu.memory_space<hbm>>) dst(%dma_wait3A_58 : memref<512xi32, #tpu.memory_space<vmem_shared>>)
      tpu.yield
    }) : () -> ()
    "tpu.region"() ({
      %run_scoped3A = tpu.sem_alloc : memref<!tpu.dma_semaphore, #tpu.memory_space<semaphore_mem>>
      %dma_start3A = arith.constant 0 : i32
      %dma_start3A_53 = tpu.memref_slice %arg6[%add3A, %dma_start3A] : memref<32x512xi32, #tpu.memory_space<vmem_shared>> -> memref<1x512xi32, #tpu.memory_space<vmem_shared>>
      %dma_start3A_54 = tpu.memref_squeeze %dma_start3A_53 : memref<1x512xi32, #tpu.memory_space<vmem_shared>> -> memref<512xi32, #tpu.memory_space<vmem_shared>>
      tpu.enqueue_dma source(%dma_start3A_54 : memref<512xi32, #tpu.memory_space<vmem_shared>>) target(%arg7 : memref<512xi32, #tpu.memory_space<smem>>) target_semaphore(%run_scoped3A : memref<!tpu.dma_semaphore, #tpu.memory_space<semaphore_mem>>)
      %dma_wait3A_55 = arith.constant 0 : i32
      %dma_wait3A_56 = tpu.memref_slice %arg6[%add3A, %dma_wait3A_55] : memref<32x512xi32, #tpu.memory_space<vmem_shared>> -> memref<1x512xi32, #tpu.memory_space<vmem_shared>>
      %dma_wait3A_57 = tpu.memref_squeeze %dma_wait3A_56 : memref<1x512xi32, #tpu.memory_space<vmem_shared>> -> memref<512xi32, #tpu.memory_space<vmem_shared>>
      tpu.wait_dma2 semaphore(%run_scoped3A : memref<!tpu.dma_semaphore, #tpu.memory_space<semaphore_mem>>) src(%dma_wait3A_57 : memref<512xi32, #tpu.memory_space<vmem_shared>>) dst(%arg7 : memref<512xi32, #tpu.memory_space<smem>>)
      tpu.yield
    }) : () -> ()
    %scan3A = arith.constant 0 : i32
    %scan3A_3 = arith.constant 0 : i32
    %scan3A_4 = arith.constant 256 : i32
    %scan3A_5 = arith.addi %scan3A_3, %scan3A_4 : i32
    %scan3A_6 = arith.constant 1 : i32
    %scan3A_7 = scf.for %scan3A_53 = %scan3A_3 to %scan3A_5 step %scan3A_6 iter_args(%scan3A_54 = %scan3A) -> (i32)  : i32 {
      %add3A_55 = arith.constant 0 : i32
      %add3A_56 = arith.addi %add3A_55, %scan3A_53 : i32
      %get3A = arith.index_cast %add3A_56 : i32 to index
      %get3A_57 = memref.load %arg7[%get3A] : memref<512xi32, #tpu.memory_space<smem>>
      %shift_right_logical3A = arith.constant 3 : i32
      %shift_right_logical3A_58 = arith.shrui %get3A_57, %shift_right_logical3A : i32
      %rem3A = arith.constant 8 : i32
      %rem3A_59 = arith.remsi %get3A_57, %rem3A : i32
      %dma_start3A = arith.constant 0 : i32
      %dma_start3A_60 = tpu.memref_slice %arg8[%scan3A_53, %dma_start3A] : memref<256x64xf32, #tpu.memory_space<vmem>> -> memref<1x64xf32, #tpu.memory_space<vmem>>
      %dma_start3A_61 = tpu.memref_squeeze %dma_start3A_60 : memref<1x64xf32, #tpu.memory_space<vmem>> -> memref<64xf32, #tpu.memory_space<vmem>>
      %dma_start3A_62 = arith.constant 0 : i32
      %dma_start3A_63 = tpu.memref_slice %arg3[%shift_right_logical3A_58, %rem3A_59, %dma_start3A_62] : memref<125000x8x64xf32, #tpu.memory_space<hbm>> -> memref<1x1x64xf32, #tpu.memory_space<hbm>>
      %dma_start3A_64 = tpu.memref_squeeze %dma_start3A_63 : memref<1x1x64xf32, #tpu.memory_space<hbm>> -> memref<64xf32, #tpu.memory_space<hbm>>
      %dma_start3A_65 = arith.constant 0 : i32
      %dma_start3A_66 = tpu.memref_slice %arg8[%scan3A_53, %dma_start3A_65] : memref<256x64xf32, #tpu.memory_space<vmem>> -> memref<1x64xf32, #tpu.memory_space<vmem>>
      %dma_start3A_67 = tpu.memref_squeeze %dma_start3A_66 : memref<1x64xf32, #tpu.memory_space<vmem>> -> memref<64xf32, #tpu.memory_space<vmem>>
      %dma_start3A_68 = arith.constant 0 : i32
      %dma_start3A_69 = tpu.memref_slice %arg3[%shift_right_logical3A_58, %rem3A_59, %dma_start3A_68] : memref<125000x8x64xf32, #tpu.memory_space<hbm>> -> memref<1x1x64xf32, #tpu.memory_space<hbm>>
      %dma_start3A_70 = tpu.memref_squeeze %dma_start3A_69 : memref<1x1x64xf32, #tpu.memory_space<hbm>> -> memref<64xf32, #tpu.memory_space<hbm>>
      tpu.enqueue_dma source(%dma_start3A_70 : memref<64xf32, #tpu.memory_space<hbm>>) target(%dma_start3A_67 : memref<64xf32, #tpu.memory_space<vmem>>) target_semaphore(%arg10 : memref<!tpu.dma_semaphore, #tpu.memory_space<semaphore_mem>>)
      %dma_start3A_71 = arith.constant 0 : i32
      %dma_start3A_72 = tpu.memref_slice %arg9[%scan3A_53, %dma_start3A_71] : memref<256x64xf32, #tpu.memory_space<vmem>> -> memref<1x64xf32, #tpu.memory_space<vmem>>
      %dma_start3A_73 = tpu.memref_squeeze %dma_start3A_72 : memref<1x64xf32, #tpu.memory_space<vmem>> -> memref<64xf32, #tpu.memory_space<vmem>>
      %dma_start3A_74 = arith.constant 0 : i32
      %dma_start3A_75 = tpu.memref_slice %arg4[%shift_right_logical3A_58, %rem3A_59, %dma_start3A_74] : memref<125000x8x64xf32, #tpu.memory_space<hbm>> -> memref<1x1x64xf32, #tpu.memory_space<hbm>>
      %dma_start3A_76 = tpu.memref_squeeze %dma_start3A_75 : memref<1x1x64xf32, #tpu.memory_space<hbm>> -> memref<64xf32, #tpu.memory_space<hbm>>
      %dma_start3A_77 = arith.constant 0 : i32
      %dma_start3A_78 = tpu.memref_slice %arg9[%scan3A_53, %dma_start3A_77] : memref<256x64xf32, #tpu.memory_space<vmem>> -> memref<1x64xf32, #tpu.memory_space<vmem>>
      %dma_start3A_79 = tpu.memref_squeeze %dma_start3A_78 : memref<1x64xf32, #tpu.memory_space<vmem>> -> memref<64xf32, #tpu.memory_space<vmem>>
      %dma_start3A_80 = arith.constant 0 : i32
      %dma_start3A_81 = tpu.memref_slice %arg4[%shift_right_logical3A_58, %rem3A_59, %dma_start3A_80] : memref<125000x8x64xf32, #tpu.memory_space<hbm>> -> memref<1x1x64xf32, #tpu.memory_space<hbm>>
      %dma_start3A_82 = tpu.memref_squeeze %dma_start3A_81 : memref<1x1x64xf32, #tpu.memory_space<hbm>> -> memref<64xf32, #tpu.memory_space<hbm>>
      tpu.enqueue_dma source(%dma_start3A_82 : memref<64xf32, #tpu.memory_space<hbm>>) target(%dma_start3A_79 : memref<64xf32, #tpu.memory_space<vmem>>) target_semaphore(%arg11 : memref<!tpu.dma_semaphore, #tpu.memory_space<semaphore_mem>>)
      %scan3A_83 = arith.constant 0 : i32
      scf.yield %scan3A_83 : i32
    }
    %scan3A_8 = arith.constant 256 : i32
    %add3A_9 = arith.constant 0 : i32
    %add3A_10 = arith.addi %mul3A_2, %add3A_9 : i32
    %dma_wait3A = arith.constant 0 : i32
    %dma_wait3A_11 = tpu.memref_slice %arg5[%add3A_10, %dma_wait3A] : memref<16384x64xf32, #tpu.memory_space<hbm>> -> memref<256x64xf32, #tpu.memory_space<hbm>>
    %dma_wait3A_12 = arith.constant 0 : i32
    %dma_wait3A_13 = tpu.memref_slice %arg5[%add3A_10, %dma_wait3A_12] : memref<16384x64xf32, #tpu.memory_space<hbm>> -> memref<256x64xf32, #tpu.memory_space<hbm>>
    tpu.wait_dma2 semaphore(%arg10 : memref<!tpu.dma_semaphore, #tpu.memory_space<semaphore_mem>>) src(%dma_wait3A_13 : memref<256x64xf32, #tpu.memory_space<hbm>>) dst(%arg8 : memref<256x64xf32, #tpu.memory_space<vmem>>)
    %dma_wait3A_14 = arith.constant 0 : i32
    %dma_wait3A_15 = tpu.memref_slice %arg5[%add3A_10, %dma_wait3A_14] : memref<16384x64xf32, #tpu.memory_space<hbm>> -> memref<256x64xf32, #tpu.memory_space<hbm>>
    %dma_wait3A_16 = arith.constant 0 : i32
    %dma_wait3A_17 = tpu.memref_slice %arg5[%add3A_10, %dma_wait3A_16] : memref<16384x64xf32, #tpu.memory_space<hbm>> -> memref<256x64xf32, #tpu.memory_space<hbm>>
    tpu.wait_dma2 semaphore(%arg11 : memref<!tpu.dma_semaphore, #tpu.memory_space<semaphore_mem>>) src(%dma_wait3A_17 : memref<256x64xf32, #tpu.memory_space<hbm>>) dst(%arg9 : memref<256x64xf32, #tpu.memory_space<vmem>>)
    %scan3A_18 = arith.constant 0 : i32
    %scan3A_19 = arith.constant 0 : i32
    %scan3A_20 = arith.constant 256 : i32
    %scan3A_21 = arith.addi %scan3A_19, %scan3A_20 : i32
    %scan3A_22 = arith.constant 1 : i32
    %scan3A_23 = scf.for %scan3A_53 = %scan3A_19 to %scan3A_21 step %scan3A_22 iter_args(%scan3A_54 = %scan3A_18) -> (i32)  : i32 {
      %get3A = arith.index_cast %scan3A_53 : i32 to index
      %get3A_55 = arith.constant 0 : index
      %get3A_56 = tpu.vector_load %arg8[%get3A, %get3A_55] {strides = array<i32>} : memref<256x64xf32, #tpu.memory_space<vmem>>, vector<1x16xf32>,
      %get3A_57 = vector.shape_cast %get3A_56 : vector<1x16xf32> to vector<16xf32>
      %get3A_58 = arith.index_cast %scan3A_53 : i32 to index
      %get3A_59 = arith.constant 0 : index
      %get3A_60 = tpu.vector_load %arg9[%get3A_58, %get3A_59] {strides = array<i32>} : memref<256x64xf32, #tpu.memory_space<vmem>>, vector<1x16xf32>,
      %get3A_61 = vector.shape_cast %get3A_60 : vector<1x16xf32> to vector<16xf32>
      %add3A_62 = arith.addf %get3A_57, %get3A_61 : vector<16xf32>
      %swap3A = arith.index_cast %scan3A_53 : i32 to index
      %swap3A_63 = arith.constant 0 : index
      %swap3A_64 = tpu.vector_load %arg8[%swap3A, %swap3A_63] {strides = array<i32>} : memref<256x64xf32, #tpu.memory_space<vmem>>, vector<1x16xf32>,
      %swap3A_65 = vector.shape_cast %swap3A_64 : vector<1x16xf32> to vector<16xf32>
      %swap3A_66 = vector.shape_cast %add3A_62 : vector<16xf32> to vector<1x16xf32>
      tpu.vector_store %arg8[%swap3A, %swap3A_63], %swap3A_66 {strides = array<i32>} : memref<256x64xf32, #tpu.memory_space<vmem>>, vector<1x16xf32>,
      %get3A_67 = arith.index_cast %scan3A_53 : i32 to index
      %get3A_68 = arith.constant 16 : index
      %get3A_69 = tpu.vector_load %arg8[%get3A_67, %get3A_68] {strides = array<i32>} : memref<256x64xf32, #tpu.memory_space<vmem>>, vector<1x16xf32>,
      %get3A_70 = vector.shape_cast %get3A_69 : vector<1x16xf32> to vector<16xf32>
      %get3A_71 = arith.index_cast %scan3A_53 : i32 to index
      %get3A_72 = arith.constant 16 : index
      %get3A_73 = tpu.vector_load %arg9[%get3A_71, %get3A_72] {strides = array<i32>} : memref<256x64xf32, #tpu.memory_space<vmem>>, vector<1x16xf32>,
      %get3A_74 = vector.shape_cast %get3A_73 : vector<1x16xf32> to vector<16xf32>
      %add3A_75 = arith.addf %get3A_70, %get3A_74 : vector<16xf32>
      %swap3A_76 = arith.index_cast %scan3A_53 : i32 to index
      %swap3A_77 = arith.constant 16 : index
      %swap3A_78 = tpu.vector_load %arg8[%swap3A_76, %swap3A_77] {strides = array<i32>} : memref<256x64xf32, #tpu.memory_space<vmem>>, vector<1x16xf32>,
      %swap3A_79 = vector.shape_cast %swap3A_78 : vector<1x16xf32> to vector<16xf32>
      %swap3A_80 = vector.shape_cast %add3A_75 : vector<16xf32> to vector<1x16xf32>
      tpu.vector_store %arg8[%swap3A_76, %swap3A_77], %swap3A_80 {strides = array<i32>} : memref<256x64xf32, #tpu.memory_space<vmem>>, vector<1x16xf32>,
      %get3A_81 = arith.index_cast %scan3A_53 : i32 to index
      %get3A_82 = arith.constant 32 : index
      %get3A_83 = tpu.vector_load %arg8[%get3A_81, %get3A_82] {strides = array<i32>} : memref<256x64xf32, #tpu.memory_space<vmem>>, vector<1x16xf32>,
      %get3A_84 = vector.shape_cast %get3A_83 : vector<1x16xf32> to vector<16xf32>
      %get3A_85 = arith.index_cast %scan3A_53 : i32 to index
      %get3A_86 = arith.constant 32 : index
      %get3A_87 = tpu.vector_load %arg9[%get3A_85, %get3A_86] {strides = array<i32>} : memref<256x64xf32, #tpu.memory_space<vmem>>, vector<1x16xf32>,
      %get3A_88 = vector.shape_cast %get3A_87 : vector<1x16xf32> to vector<16xf32>
      %add3A_89 = arith.addf %get3A_84, %get3A_88 : vector<16xf32>
      %swap3A_90 = arith.index_cast %scan3A_53 : i32 to index
      %swap3A_91 = arith.constant 32 : index
      %swap3A_92 = tpu.vector_load %arg8[%swap3A_90, %swap3A_91] {strides = array<i32>} : memref<256x64xf32, #tpu.memory_space<vmem>>, vector<1x16xf32>,
      %swap3A_93 = vector.shape_cast %swap3A_92 : vector<1x16xf32> to vector<16xf32>
      %swap3A_94 = vector.shape_cast %add3A_89 : vector<16xf32> to vector<1x16xf32>
      tpu.vector_store %arg8[%swap3A_90, %swap3A_91], %swap3A_94 {strides = array<i32>} : memref<256x64xf32, #tpu.memory_space<vmem>>, vector<1x16xf32>,
      %get3A_95 = arith.index_cast %scan3A_53 : i32 to index
      %get3A_96 = arith.constant 48 : index
      %get3A_97 = tpu.vector_load %arg8[%get3A_95, %get3A_96] {strides = array<i32>} : memref<256x64xf32, #tpu.memory_space<vmem>>, vector<1x16xf32>,
      %get3A_98 = vector.shape_cast %get3A_97 : vector<1x16xf32> to vector<16xf32>
      %get3A_99 = arith.index_cast %scan3A_53 : i32 to index
      %get3A_100 = arith.constant 48 : index
      %get3A_101 = tpu.vector_load %arg9[%get3A_99, %get3A_100] {strides = array<i32>} : memref<256x64xf32, #tpu.memory_space<vmem>>, vector<1x16xf32>,
      %get3A_102 = vector.shape_cast %get3A_101 : vector<1x16xf32> to vector<16xf32>
      %add3A_103 = arith.addf %get3A_98, %get3A_102 : vector<16xf32>
      %swap3A_104 = arith.index_cast %scan3A_53 : i32 to index
      %swap3A_105 = arith.constant 48 : index
      %swap3A_106 = tpu.vector_load %arg8[%swap3A_104, %swap3A_105] {strides = array<i32>} : memref<256x64xf32, #tpu.memory_space<vmem>>, vector<1x16xf32>,
      %swap3A_107 = vector.shape_cast %swap3A_106 : vector<1x16xf32> to vector<16xf32>
      %swap3A_108 = vector.shape_cast %add3A_103 : vector<16xf32> to vector<1x16xf32>
      tpu.vector_store %arg8[%swap3A_104, %swap3A_105], %swap3A_108 {strides = array<i32>} : memref<256x64xf32, #tpu.memory_space<vmem>>, vector<1x16xf32>,
      %scan3A_109 = arith.constant 0 : i32
      scf.yield %scan3A_109 : i32
    }
    %scan3A_24 = arith.constant 256 : i32
    %add3A_25 = arith.constant 0 : i32
    %add3A_26 = arith.addi %mul3A_2, %add3A_25 : i32
    "tpu.region"() ({
      %run_scoped3A = tpu.sem_alloc : memref<!tpu.dma_semaphore, #tpu.memory_space<semaphore_mem>>
      %dma_start3A = arith.constant 0 : i32
      %dma_start3A_53 = tpu.memref_slice %arg5[%add3A_26, %dma_start3A] : memref<16384x64xf32, #tpu.memory_space<hbm>> -> memref<256x64xf32, #tpu.memory_space<hbm>>
      %dma_start3A_54 = arith.constant 0 : i32
      %dma_start3A_55 = tpu.memref_slice %arg5[%add3A_26, %dma_start3A_54] : memref<16384x64xf32, #tpu.memory_space<hbm>> -> memref<256x64xf32, #tpu.memory_space<hbm>>
      tpu.enqueue_dma source(%arg8 : memref<256x64xf32, #tpu.memory_space<vmem>>) target(%dma_start3A_55 : memref<256x64xf32, #tpu.memory_space<hbm>>) target_semaphore(%run_scoped3A : memref<!tpu.dma_semaphore, #tpu.memory_space<semaphore_mem>>)
      %dma_wait3A_56 = arith.constant 0 : i32
      %dma_wait3A_57 = tpu.memref_slice %arg5[%add3A_26, %dma_wait3A_56] : memref<16384x64xf32, #tpu.memory_space<hbm>> -> memref<256x64xf32, #tpu.memory_space<hbm>>
      %dma_wait3A_58 = arith.constant 0 : i32
      %dma_wait3A_59 = tpu.memref_slice %arg5[%add3A_26, %dma_wait3A_58] : memref<16384x64xf32, #tpu.memory_space<hbm>> -> memref<256x64xf32, #tpu.memory_space<hbm>>
      tpu.wait_dma2 semaphore(%run_scoped3A : memref<!tpu.dma_semaphore, #tpu.memory_space<semaphore_mem>>) src(%arg8 : memref<256x64xf32, #tpu.memory_space<vmem>>) dst(%dma_wait3A_59 : memref<256x64xf32, #tpu.memory_space<hbm>>)
      tpu.yield
    }) : () -> ()
    %scan3A_27 = arith.constant 0 : i32
    %scan3A_28 = arith.constant 0 : i32
    %scan3A_29 = arith.constant 256 : i32
    %scan3A_30 = arith.addi %scan3A_28, %scan3A_29 : i32
    %scan3A_31 = arith.constant 1 : i32
    %scan3A_32 = scf.for %scan3A_53 = %scan3A_28 to %scan3A_30 step %scan3A_31 iter_args(%scan3A_54 = %scan3A_27) -> (i32)  : i32 {
      %add3A_55 = arith.constant 256 : i32
      %add3A_56 = arith.addi %add3A_55, %scan3A_53 : i32
      %get3A = arith.index_cast %add3A_56 : i32 to index
      %get3A_57 = memref.load %arg7[%get3A] : memref<512xi32, #tpu.memory_space<smem>>
      %shift_right_logical3A = arith.constant 3 : i32
      %shift_right_logical3A_58 = arith.shrui %get3A_57, %shift_right_logical3A : i32
      %rem3A = arith.constant 8 : i32
      %rem3A_59 = arith.remsi %get3A_57, %rem3A : i32
      %dma_start3A = arith.constant 0 : i32
      %dma_start3A_60 = tpu.memref_slice %arg8[%scan3A_53, %dma_start3A] : memref<256x64xf32, #tpu.memory_space<vmem>> -> memref<1x64xf32, #tpu.memory_space<vmem>>
      %dma_start3A_61 = tpu.memref_squeeze %dma_start3A_60 : memref<1x64xf32, #tpu.memory_space<vmem>> -> memref<64xf32, #tpu.memory_space<vmem>>
      %dma_start3A_62 = arith.constant 0 : i32
      %dma_start3A_63 = tpu.memref_slice %arg3[%shift_right_logical3A_58, %rem3A_59, %dma_start3A_62] : memref<125000x8x64xf32, #tpu.memory_space<hbm>> -> memref<1x1x64xf32, #tpu.memory_space<hbm>>
      %dma_start3A_64 = tpu.memref_squeeze %dma_start3A_63 : memref<1x1x64xf32, #tpu.memory_space<hbm>> -> memref<64xf32, #tpu.memory_space<hbm>>
      %dma_start3A_65 = arith.constant 0 : i32
      %dma_start3A_66 = tpu.memref_slice %arg8[%scan3A_53, %dma_start3A_65] : memref<256x64xf32, #tpu.memory_space<vmem>> -> memref<1x64xf32, #tpu.memory_space<vmem>>
      %dma_start3A_67 = tpu.memref_squeeze %dma_start3A_66 : memref<1x64xf32, #tpu.memory_space<vmem>> -> memref<64xf32, #tpu.memory_space<vmem>>
      %dma_start3A_68 = arith.constant 0 : i32
      %dma_start3A_69 = tpu.memref_slice %arg3[%shift_right_logical3A_58, %rem3A_59, %dma_start3A_68] : memref<125000x8x64xf32, #tpu.memory_space<hbm>> -> memref<1x1x64xf32, #tpu.memory_space<hbm>>
      %dma_start3A_70 = tpu.memref_squeeze %dma_start3A_69 : memref<1x1x64xf32, #tpu.memory_space<hbm>> -> memref<64xf32, #tpu.memory_space<hbm>>
      tpu.enqueue_dma source(%dma_start3A_70 : memref<64xf32, #tpu.memory_space<hbm>>) target(%dma_start3A_67 : memref<64xf32, #tpu.memory_space<vmem>>) target_semaphore(%arg10 : memref<!tpu.dma_semaphore, #tpu.memory_space<semaphore_mem>>)
      %dma_start3A_71 = arith.constant 0 : i32
      %dma_start3A_72 = tpu.memref_slice %arg9[%scan3A_53, %dma_start3A_71] : memref<256x64xf32, #tpu.memory_space<vmem>> -> memref<1x64xf32, #tpu.memory_space<vmem>>
      %dma_start3A_73 = tpu.memref_squeeze %dma_start3A_72 : memref<1x64xf32, #tpu.memory_space<vmem>> -> memref<64xf32, #tpu.memory_space<vmem>>
      %dma_start3A_74 = arith.constant 0 : i32
      %dma_start3A_75 = tpu.memref_slice %arg4[%shift_right_logical3A_58, %rem3A_59, %dma_start3A_74] : memref<125000x8x64xf32, #tpu.memory_space<hbm>> -> memref<1x1x64xf32, #tpu.memory_space<hbm>>
      %dma_start3A_76 = tpu.memref_squeeze %dma_start3A_75 : memref<1x1x64xf32, #tpu.memory_space<hbm>> -> memref<64xf32, #tpu.memory_space<hbm>>
      %dma_start3A_77 = arith.constant 0 : i32
      %dma_start3A_78 = tpu.memref_slice %arg9[%scan3A_53, %dma_start3A_77] : memref<256x64xf32, #tpu.memory_space<vmem>> -> memref<1x64xf32, #tpu.memory_space<vmem>>
      %dma_start3A_79 = tpu.memref_squeeze %dma_start3A_78 : memref<1x64xf32, #tpu.memory_space<vmem>> -> memref<64xf32, #tpu.memory_space<vmem>>
      %dma_start3A_80 = arith.constant 0 : i32
      %dma_start3A_81 = tpu.memref_slice %arg4[%shift_right_logical3A_58, %rem3A_59, %dma_start3A_80] : memref<125000x8x64xf32, #tpu.memory_space<hbm>> -> memref<1x1x64xf32, #tpu.memory_space<hbm>>
      %dma_start3A_82 = tpu.memref_squeeze %dma_start3A_81 : memref<1x1x64xf32, #tpu.memory_space<hbm>> -> memref<64xf32, #tpu.memory_space<hbm>>
      tpu.enqueue_dma source(%dma_start3A_82 : memref<64xf32, #tpu.memory_space<hbm>>) target(%dma_start3A_79 : memref<64xf32, #tpu.memory_space<vmem>>) target_semaphore(%arg11 : memref<!tpu.dma_semaphore, #tpu.memory_space<semaphore_mem>>)
      %scan3A_83 = arith.constant 0 : i32
      scf.yield %scan3A_83 : i32
    }
    %scan3A_33 = arith.constant 256 : i32
    %add3A_34 = arith.constant 256 : i32
    %add3A_35 = arith.addi %mul3A_2, %add3A_34 : i32
    %dma_wait3A_36 = arith.constant 0 : i32
    %dma_wait3A_37 = tpu.memref_slice %arg5[%add3A_35, %dma_wait3A_36] : memref<16384x64xf32, #tpu.memory_space<hbm>> -> memref<256x64xf32, #tpu.memory_space<hbm>>
    %dma_wait3A_38 = arith.constant 0 : i32
    %dma_wait3A_39 = tpu.memref_slice %arg5[%add3A_35, %dma_wait3A_38] : memref<16384x64xf32, #tpu.memory_space<hbm>> -> memref<256x64xf32, #tpu.memory_space<hbm>>
    tpu.wait_dma2 semaphore(%arg10 : memref<!tpu.dma_semaphore, #tpu.memory_space<semaphore_mem>>) src(%dma_wait3A_39 : memref<256x64xf32, #tpu.memory_space<hbm>>) dst(%arg8 : memref<256x64xf32, #tpu.memory_space<vmem>>)
    %dma_wait3A_40 = arith.constant 0 : i32
    %dma_wait3A_41 = tpu.memref_slice %arg5[%add3A_35, %dma_wait3A_40] : memref<16384x64xf32, #tpu.memory_space<hbm>> -> memref<256x64xf32, #tpu.memory_space<hbm>>
    %dma_wait3A_42 = arith.constant 0 : i32
    %dma_wait3A_43 = tpu.memref_slice %arg5[%add3A_35, %dma_wait3A_42] : memref<16384x64xf32, #tpu.memory_space<hbm>> -> memref<256x64xf32, #tpu.memory_space<hbm>>
    tpu.wait_dma2 semaphore(%arg11 : memref<!tpu.dma_semaphore, #tpu.memory_space<semaphore_mem>>) src(%dma_wait3A_43 : memref<256x64xf32, #tpu.memory_space<hbm>>) dst(%arg9 : memref<256x64xf32, #tpu.memory_space<vmem>>)
    %scan3A_44 = arith.constant 0 : i32
    %scan3A_45 = arith.constant 0 : i32
    %scan3A_46 = arith.constant 256 : i32
    %scan3A_47 = arith.addi %scan3A_45, %scan3A_46 : i32
    %scan3A_48 = arith.constant 1 : i32
    %scan3A_49 = scf.for %scan3A_53 = %scan3A_45 to %scan3A_47 step %scan3A_48 iter_args(%scan3A_54 = %scan3A_44) -> (i32)  : i32 {
      %get3A = arith.index_cast %scan3A_53 : i32 to index
      %get3A_55 = arith.constant 0 : index
      %get3A_56 = tpu.vector_load %arg8[%get3A, %get3A_55] {strides = array<i32>} : memref<256x64xf32, #tpu.memory_space<vmem>>, vector<1x16xf32>,
      %get3A_57 = vector.shape_cast %get3A_56 : vector<1x16xf32> to vector<16xf32>
      %get3A_58 = arith.index_cast %scan3A_53 : i32 to index
      %get3A_59 = arith.constant 0 : index
      %get3A_60 = tpu.vector_load %arg9[%get3A_58, %get3A_59] {strides = array<i32>} : memref<256x64xf32, #tpu.memory_space<vmem>>, vector<1x16xf32>,
      %get3A_61 = vector.shape_cast %get3A_60 : vector<1x16xf32> to vector<16xf32>
      %add3A_62 = arith.addf %get3A_57, %get3A_61 : vector<16xf32>
      %swap3A = arith.index_cast %scan3A_53 : i32 to index
      %swap3A_63 = arith.constant 0 : index
      %swap3A_64 = tpu.vector_load %arg8[%swap3A, %swap3A_63] {strides = array<i32>} : memref<256x64xf32, #tpu.memory_space<vmem>>, vector<1x16xf32>,
      %swap3A_65 = vector.shape_cast %swap3A_64 : vector<1x16xf32> to vector<16xf32>
      %swap3A_66 = vector.shape_cast %add3A_62 : vector<16xf32> to vector<1x16xf32>
      tpu.vector_store %arg8[%swap3A, %swap3A_63], %swap3A_66 {strides = array<i32>} : memref<256x64xf32, #tpu.memory_space<vmem>>, vector<1x16xf32>,
      %get3A_67 = arith.index_cast %scan3A_53 : i32 to index
      %get3A_68 = arith.constant 16 : index
      %get3A_69 = tpu.vector_load %arg8[%get3A_67, %get3A_68] {strides = array<i32>} : memref<256x64xf32, #tpu.memory_space<vmem>>, vector<1x16xf32>,
      %get3A_70 = vector.shape_cast %get3A_69 : vector<1x16xf32> to vector<16xf32>
      %get3A_71 = arith.index_cast %scan3A_53 : i32 to index
      %get3A_72 = arith.constant 16 : index
      %get3A_73 = tpu.vector_load %arg9[%get3A_71, %get3A_72] {strides = array<i32>} : memref<256x64xf32, #tpu.memory_space<vmem>>, vector<1x16xf32>,
      %get3A_74 = vector.shape_cast %get3A_73 : vector<1x16xf32> to vector<16xf32>
      %add3A_75 = arith.addf %get3A_70, %get3A_74 : vector<16xf32>
      %swap3A_76 = arith.index_cast %scan3A_53 : i32 to index
      %swap3A_77 = arith.constant 16 : index
      %swap3A_78 = tpu.vector_load %arg8[%swap3A_76, %swap3A_77] {strides = array<i32>} : memref<256x64xf32, #tpu.memory_space<vmem>>, vector<1x16xf32>,
      %swap3A_79 = vector.shape_cast %swap3A_78 : vector<1x16xf32> to vector<16xf32>
      %swap3A_80 = vector.shape_cast %add3A_75 : vector<16xf32> to vector<1x16xf32>
      tpu.vector_store %arg8[%swap3A_76, %swap3A_77], %swap3A_80 {strides = array<i32>} : memref<256x64xf32, #tpu.memory_space<vmem>>, vector<1x16xf32>,
      %get3A_81 = arith.index_cast %scan3A_53 : i32 to index
      %get3A_82 = arith.constant 32 : index
      %get3A_83 = tpu.vector_load %arg8[%get3A_81, %get3A_82] {strides = array<i32>} : memref<256x64xf32, #tpu.memory_space<vmem>>, vector<1x16xf32>,
      %get3A_84 = vector.shape_cast %get3A_83 : vector<1x16xf32> to vector<16xf32>
      %get3A_85 = arith.index_cast %scan3A_53 : i32 to index
      %get3A_86 = arith.constant 32 : index
      %get3A_87 = tpu.vector_load %arg9[%get3A_85, %get3A_86] {strides = array<i32>} : memref<256x64xf32, #tpu.memory_space<vmem>>, vector<1x16xf32>,
      %get3A_88 = vector.shape_cast %get3A_87 : vector<1x16xf32> to vector<16xf32>
      %add3A_89 = arith.addf %get3A_84, %get3A_88 : vector<16xf32>
      %swap3A_90 = arith.index_cast %scan3A_53 : i32 to index
      %swap3A_91 = arith.constant 32 : index
      %swap3A_92 = tpu.vector_load %arg8[%swap3A_90, %swap3A_91] {strides = array<i32>} : memref<256x64xf32, #tpu.memory_space<vmem>>, vector<1x16xf32>,
      %swap3A_93 = vector.shape_cast %swap3A_92 : vector<1x16xf32> to vector<16xf32>
      %swap3A_94 = vector.shape_cast %add3A_89 : vector<16xf32> to vector<1x16xf32>
      tpu.vector_store %arg8[%swap3A_90, %swap3A_91], %swap3A_94 {strides = array<i32>} : memref<256x64xf32, #tpu.memory_space<vmem>>, vector<1x16xf32>,
      %get3A_95 = arith.index_cast %scan3A_53 : i32 to index
      %get3A_96 = arith.constant 48 : index
      %get3A_97 = tpu.vector_load %arg8[%get3A_95, %get3A_96] {strides = array<i32>} : memref<256x64xf32, #tpu.memory_space<vmem>>, vector<1x16xf32>,
      %get3A_98 = vector.shape_cast %get3A_97 : vector<1x16xf32> to vector<16xf32>
      %get3A_99 = arith.index_cast %scan3A_53 : i32 to index
      %get3A_100 = arith.constant 48 : index
      %get3A_101 = tpu.vector_load %arg9[%get3A_99, %get3A_100] {strides = array<i32>} : memref<256x64xf32, #tpu.memory_space<vmem>>, vector<1x16xf32>,
      %get3A_102 = vector.shape_cast %get3A_101 : vector<1x16xf32> to vector<16xf32>
      %add3A_103 = arith.addf %get3A_98, %get3A_102 : vector<16xf32>
      %swap3A_104 = arith.index_cast %scan3A_53 : i32 to index
      %swap3A_105 = arith.constant 48 : index
      %swap3A_106 = tpu.vector_load %arg8[%swap3A_104, %swap3A_105] {strides = array<i32>} : memref<256x64xf32, #tpu.memory_space<vmem>>, vector<1x16xf32>,
      %swap3A_107 = vector.shape_cast %swap3A_106 : vector<1x16xf32> to vector<16xf32>
      %swap3A_108 = vector.shape_cast %add3A_103 : vector<16xf32> to vector<1x16xf32>
      tpu.vector_store %arg8[%swap3A_104, %swap3A_105], %swap3A_108 {strides = array<i32>} : memref<256x64xf32, #tpu.memory_space<vmem>>, vector<1x16xf32>,
      %scan3A_109 = arith.constant 0 : i32
      scf.yield %scan3A_109 : i32
    }
    %scan3A_50 = arith.constant 256 : i32
    %add3A_51 = arith.constant 256 : i32
    %add3A_52 = arith.addi %mul3A_2, %add3A_51 : i32
    "tpu.region"() ({
      %run_scoped3A = tpu.sem_alloc : memref<!tpu.dma_semaphore, #tpu.memory_space<semaphore_mem>>
      %dma_start3A = arith.constant 0 : i32
      %dma_start3A_53 = tpu.memref_slice %arg5[%add3A_52, %dma_start3A] : memref<16384x64xf32, #tpu.memory_space<hbm>> -> memref<256x64xf32, #tpu.memory_space<hbm>>
      %dma_start3A_54 = arith.constant 0 : i32
      %dma_start3A_55 = tpu.memref_slice %arg5[%add3A_52, %dma_start3A_54] : memref<16384x64xf32, #tpu.memory_space<hbm>> -> memref<256x64xf32, #tpu.memory_space<hbm>>
      tpu.enqueue_dma source(%arg8 : memref<256x64xf32, #tpu.memory_space<vmem>>) target(%dma_start3A_55 : memref<256x64xf32, #tpu.memory_space<hbm>>) target_semaphore(%run_scoped3A : memref<!tpu.dma_semaphore, #tpu.memory_space<semaphore_mem>>)
      %dma_wait3A_56 = arith.constant 0 : i32
      %dma_wait3A_57 = tpu.memref_slice %arg5[%add3A_52, %dma_wait3A_56] : memref<16384x64xf32, #tpu.memory_space<hbm>> -> memref<256x64xf32, #tpu.memory_space<hbm>>
      %dma_wait3A_58 = arith.constant 0 : i32
      %dma_wait3A_59 = tpu.memref_slice %arg5[%add3A_52, %dma_wait3A_58] : memref<16384x64xf32, #tpu.memory_space<hbm>> -> memref<256x64xf32, #tpu.memory_space<hbm>>
      tpu.wait_dma2 semaphore(%run_scoped3A : memref<!tpu.dma_semaphore, #tpu.memory_space<semaphore_mem>>) src(%arg8 : memref<256x64xf32, #tpu.memory_space<vmem>>) dst(%dma_wait3A_59 : memref<256x64xf32, #tpu.memory_space<hbm>>)
      tpu.yield
    }) : () -> ()
    return
  }
}

</mosaic_0001>

<sc_bundles>
// kernel: kernel.3.cloned.1.call-start
scs
__scs_entry_jumppad:
0x0: {  	(pc) =	sbr.rel $0x88, $3  }
0x1: {  	(tag) =	ssettag $0x0;
	lr =	simm.s32 $0x1  }
0x2: {  	[smem:$0x3F9E] =	sst lr;
	_ =	strace $0xD0000000  }
0x3: {  	_ = 	snop  }
0x4: {  	_ = 	snop  }
0x5: {  	_ = 	snop  }
0x6: {  	_ = 	snop  }
0x7: {  	_ = 	snop  }
__scs_overlays_trampoline_lowered:
0x8: {  	[smem:$0x3FAD] =	sst s0  }
0x9: {  	[smem:$0x3FAE] =	sst s1  }
0xa: {  	[smem:$0x3FAF] =	sst s2  }
0xb: {  	[smem:$0x3FB0] =	sst s3  }
0xc: {  	[smem:$0x3FB1] =	sst s4  }
0xd: {  	[smem:$0x3FB2] =	sst s5  }
0xe: {  	[smem:$0x3FB3] =	sst s6  }
0xf: {  	[smem:$0x3FB4] =	sst s7  }
0x10: {  	[smem:$0x3FB5] =	sst s8  }
0x11: {  	[smem:$0x3FB6] =	sst s9;
	s0 =	simm.s32 @!p0 $0x0  }
0x12: {  	s1 =	sld [smem:$0x3F9C];
	s0 =	simm.s32 @p0 $0x1  }
0x13: {  	[smem:$0x3FB7] =	sst s0;
	s0 =	simm.s32 @!p1 $0x0  }
0x14: {  	s2 =	sld [smem:$0x3F9B];
	s0 =	simm.s32 @p1 $0x1  }
0x15: {  	[smem:$0x3FB8] =	sst s0;
	s0 =	simm.s32 @!p2 $0x0  }
0x16: {  	s3 =	sld [smem:$0x3FDB];
	s0 =	simm.s32 @p2 $0x1  }
0x17: {  	s4 =	simm.s32 $0x1BF5;
	[smem:$0x3FBA] =	sst s0  }
0x18: {  	s0 =	sld [smem:$0x3F9D];
	_ =	swait.ge [sflag:s4], $0x0  }
0x19: {  	s7 =	sld [smem:$0x3F9E]  }
0x1a: {  	s8 =	sadd.s32 $0xFFFFE003, lr  }
0x1b: {  	s9 =	sadd.s32 $0xFFFFFEF7, lr;
	s5 =	simm.s32 $0xFFFFFFFF;
	p2 =	slt.u32 s8, $0xFFFFF086  }
0x1c: {  	p1 =	slt.u32 s9, $0xF7A;
	s5 =	simm.s32 @!p2 $0x0  }
0x1d: {  	s5 =	simm.s32 @p1 $0x1;
	p0 =	seq.s32 s7, s2  }
0x1e: {  	s7 =	smul.u32 @!p0 $0xF7A, s2;
	p2 =	seq.s32 @!p0 s5, $0x0  }
0x1f: {  	s9 =	smul.u32 $0xF7A, s1;
	s8 =	simm.s32 @!p0 $0x1BF5;
	p2 =	por !p2, p0  }
0x20: {  	[sflag:s8] =	ssyncset.s32 @!p0 $0xFFFFF086;
	s6 =	sadd.s32 @!p0 s3, s7;
	s7 =	simm.s32 @!p0 $0x108  }
0x21: {  	s3 =	sadd.s32 s3, s9;
	s6 =	sadd.s32 @!p0 $0x88, s6;
	s7 =	simm.s32 @p2 $0x1082  }
0x22: {  	[simem:s7], [sflag:s8] =	dma.local @!p0 [hbm:s6], $0xF7A  }
0x23: {  	s9 =	sor.u32 $0xD0000000, s2;
	s6 =	simm.s32 $0x108;
	_ =	swait.ge @!p0 [sflag:s8], $0x0  }
0x24: {  	s3 =	sadd.s32 $0x88, s3;
	s6 =	simm.s32 @!p1 $0x1082;
	[sflag:s4] =	ssyncset.s32 $0xFFFFF086  }
0x25: {  	[simem:s6], [sflag:s4] =	dma.local [hbm:s3], $0xF7A  }
0x26: {  	[smem:$0x3F9E] =	sst s1;
	(tag) =	ssettag s2;
	_ =	strace s9  }
0x27: {  	s1 =	sld [smem:$0x3FAE]  }
0x28: {  	s2 =	sld [smem:$0x3FAF]  }
0x29: {  	s4 =	sld [smem:$0x3FB1]  }
0x2a: {  	p0 =	seq.s32 s5, $0x0;
	s5 =	sld [smem:$0x3FB2]  }
0x2b: {  	s6 =	sld [smem:$0x3FB3]  }
0x2c: {  	s7 =	sld [smem:$0x3FB4]  }
0x2d: {  	s3 =	simm.s32 $0x108;
	s8 =	sld [smem:$0x3FB5]  }
0x2e: {  	s3 =	simm.s32 @!p0 $0x1082;
	s9 =	sld [smem:$0x3FB6]  }
0x2f: {  	lr =	sadd.s32 s0, s3;
	s0 =	sld [smem:$0x3FAD]  }
0x30: {  	s3 =	sld [smem:$0x3FB0]  }
0x31: {  	[smem:$0x3FB9] =	sst s10  }
0x32: {  	s10 =	sld [smem:$0x3FB7];
	_ =	sdelay $0x3  }
0x33: {  	p0 =	seq.s32 s10, $0x1;
	s10 =	sld [smem:$0x3FB9];
	_ =	sdelay $0x3  }
0x34: {  	[smem:$0x3FB9] =	sst s10  }
0x35: {  	s10 =	sld [smem:$0x3FB8];
	_ =	sdelay $0x3  }
0x36: {  	p1 =	seq.s32 s10, $0x1;
	s10 =	sld [smem:$0x3FB9];
	_ =	sdelay $0x3  }
0x37: {  	[smem:$0x3FB9] =	sst s10  }
0x38: {  	s10 =	sld [smem:$0x3FBA]  }
0x39: {  	_ = 	snop;
	(pc) =	sbr.ind lr, $3  }
0x3a: {  	_ = 	snop  }
0x3b: {  	_ = 	snop  }
0x3c: {  	p2 =	seq.s32 s10, $0x1;
	s10 =	sld [smem:$0x3FB9]  }
0x3d: {  	_ =	shalt  }
0x3e: {  	_ =	shalt  }
0x3f: {  	_ =	shalt  }
0x40: {  	_ =	shalt  }
0x41: {  	_ =	shalt  }
0x42: {  	_ =	shalt  }
0x43: {  	_ =	shalt  }
0x44: {  	_ =	shalt  }
0x45: {  	_ =	shalt  }
0x46: {  	_ =	shalt  }
0x47: {  	_ =	shalt  }
0x48: {  	_ =	shalt  }
0x49: {  	_ =	shalt  }
0x4a: {  	_ =	shalt  }
0x4b: {  	_ =	shalt  }
0x4c: {  	_ =	shalt  }
0x4d: {  	_ =	shalt  }
0x4e: {  	_ =	shalt  }
0x4f: {  	_ =	shalt  }
0x50: {  	_ =	shalt  }
0x51: {  	_ =	shalt  }
0x52: {  	_ =	shalt  }
0x53: {  	_ =	shalt  }
0x54: {  	_ =	shalt  }
0x55: {  	_ =	shalt  }
0x56: {  	_ =	shalt  }
0x57: {  	_ =	shalt  }
0x58: {  	_ =	shalt  }
0x59: {  	_ =	shalt  }
0x5a: {  	_ =	shalt  }
0x5b: {  	_ =	shalt  }
0x5c: {  	_ =	shalt  }
0x5d: {  	_ =	shalt  }
0x5e: {  	_ =	shalt  }
0x5f: {  	_ =	shalt  }
0x60: {  	_ =	shalt  }
0x61: {  	_ =	shalt  }
0x62: {  	_ =	shalt  }
0x63: {  	_ =	shalt  }
0x64: {  	_ =	shalt  }
0x65: {  	_ =	shalt  }
0x66: {  	_ =	shalt  }
0x67: {  	_ =	shalt  }
0x68: {  	_ =	shalt  }
0x69: {  	_ =	shalt  }
0x6a: {  	_ =	shalt  }
0x6b: {  	_ =	shalt  }
0x6c: {  	_ =	shalt  }
0x6d: {  	_ =	shalt  }
0x6e: {  	_ =	shalt  }
0x6f: {  	_ =	shalt  }
0x70: {  	_ =	shalt  }
0x71: {  	_ =	shalt  }
0x72: {  	_ =	shalt  }
0x73: {  	_ =	shalt  }
0x74: {  	_ =	shalt  }
0x75: {  	_ =	shalt  }
0x76: {  	_ =	shalt  }
0x77: {  	_ =	shalt  }
0x78: {  	_ =	shalt  }
0x79: {  	_ =	shalt  }
0x7a: {  	_ =	shalt  }
0x7b: {  	_ =	shalt  }
0x7c: {  	_ =	shalt  }
0x7d: {  	_ =	shalt  }
0x7e: {  	_ =	shalt  }
0x7f: {  	_ =	shalt  }
0x80: {  	_ =	shalt  }
0x81: {  	_ =	shalt  }
0x82: {  	_ =	shalt  }
0x83: {  	_ =	shalt  }
0x84: {  	_ =	shalt  }
0x85: {  	_ =	shalt  }
0x86: {  	_ =	shalt  }
0x87: {  	_ =	shalt  }
.Lfunc_end0:
.L_simem_size_0:
called_computation_lowered:
.L_overlay_start_0:
0x88: {  	s2 =	sld [smem:$0x3FD9]  }
0x89: {  	s3 =	sld [smem:$0x3FFE];
	_ =	sdelay $0x1  }
0x8a: {  	s1 =	srdreg.scid  }
0x8b: {  	s0 =	sand.u32 $0x1, s1  }
0x8c: {  	s17 =	sshll.u32 s0, $0xA;
	s2 =	sadd.s32 s3, s2  }
0x8d: {  	s2 =	sadd.s32 s2, s17  }
0x8e: {  	[smem:$0x3FC5] =	sst s2  }
0x8f: {  	_ = 	snop  }
0x90: {  	s2 =	sld [smem:$0x3FC9];
	(tm) =	ssettm $0x1  }
0x91: {  	s18 =	sld [smem:$0x3FFB];
	_ =	sdelay $0x3  }
0x92: {  	_ =	strace s18  }
0x93: {  	s3 =	sld [smem:$0x3FFC];
	_ =	sdelay $0x3  }
0x94: {  	_ =	strace s3  }
0x95: {  	s3 =	sld [smem:$0x3FFD];
	_ =	sdelay $0x3  }
0x96: {  	_ =	strace s3  }
0x97: {  	_ =	strace $0x8FFFFFFF  }
0x98: {  	s19 =	sld [smem:$0x3FDB];
	_ =	sdelay $0x1  }
0x99: {  	s4 =	simm.s32 $_scs_section_size  }
0x9a: {  	s5 =	simm.s32 $_size__tile_overlayer_lowered;
	s6 =	simm.s32 $_tile_overlayer_lowered  }
0x9b: {  	s22 =	simm.s32 $0x1BFF;
	s21 =	sshll.u32 s6, $0x1;
	s3 =	sadd.s32 s4, s19  }
0x9c: {  	s7 =	simm.s32 $0x0;
	s20 =	sshll.u32 s5, $0x1;
	s5 =	sadd.s32 s21, s3  }
0x9d: {  	[timem:s7], [sflag:s22] =	dma.local [hbm:s5], s20  }
0x9e: {  	_ =	swait.ge [sflag:s22], s20  }
0x9f: {  	s4 =	ssub.s32 $0x0, s20;
	[sflag:s22] =	ssyncset.done $0x0  }
0xa0: {  	[sflag:s22] =	ssyncadd.s32 s4;
	_ =	sdelay $0x1  }
0xa1: {  	s23 =	simm.s32 $0x1B8B  }
0xa2: {  	_ =	swait.ge [sflag:s23], $0x1  }
0xa3: {  	[sflag:s23] =	ssyncset.done $0x0  }
0xa4: {  	s25 =	simm.s32 $0x1B8E;
	s24 =	sld [smem:$0x3FFE];
	[sflag:s23] =	ssyncadd.s32 $0xFFFFFFFF  }
0xa5: {  	s26 =	simm.s32 $execute0_lowered;
	[smem:$0x3FD2] =	sst s25  }
0xa6: {  	s5 =	sshll.u32 s26, $0x1;
	_ =	strace $0x80000046;
	[dreg:$0x1] =	wrdreg $0xFFFFFFFF  }
0xa7: {  	s28 =	simm.s32 $_size_execute0_lowered;
	s3 =	sadd.s32 s3, s5;
	[dreg:$0x0] =	wrdreg $0x0  }
0xa8: {  	s5 =	sshll.u32 s28, $0x1;
	[dreg:$0x2] =	wrdreg s3  }
0xa9: {  	[dreg:$0x3] =	wrdreg s5  }
0xaa: {  	[dreg:$0x4] =	wrdreg $0xC0  }
0xab: {  	_ =	task [dreg:s7], $0x5FFFF  }
0xac: {  	[dreg:$0x1] =	wrdreg $0xFFFFFFFF  }
0xad: {  	[dreg:$0x0] =	wrdreg $0x60  }
0xae: {  	[dreg:$0x2] =	wrdreg s2  }
0xaf: {  	[dreg:$0x3] =	wrdreg s24  }
0xb0: {  	[dreg:$0x4] =	wrdreg $0x0  }
0xb1: {  	[dreg:$0x5] =	wrdreg $0x9  }
0xb2: {  	_ =	task.clear_ibuf [dreg:s7], $0x6FFFF;
	_ =	strace $0x90000046  }
0xb3: {  	s29 =	simm.s32 $0x9;
	_ =	strace $0x80000048  }
0xb4: {  	_ =	swait.ge [sflag:s29], $0x1  }
0xb5: {  	[sflag:s29] =	ssyncadd.s32 $0xFFFFFFFF  }
0xb6: {  	_ =	strace $0x90000048  }
0xb7: {  	_ =	sfence  }
0xb8: {  	s30 =	sld [smem:$0x0];
	_ =	sdelay $0x2  }
0xb9: {  	s31 =	sshll.u32 s1, $0xD;
	s1 =	sshrl.u32 s1, $0x2  }
0xba: {  	s3 =	sand.u32 $0x4000, s31;
	s1 =	sadd.s32 s1, s30  }
0xbb: {  	s0 =	sor.u32 s3, s0;
	s1 =	sshll.u32 s1, $0x11  }
0xbc: {  	s0 =	sor.u32 s1, s0  }
0xbd: {  	s0 =	sadd.s32 $0x8F2B, s0  }
0xbe: {  	[sflag:s0] =	ssyncadd.remote.s32 $0x1  }
0xbf: {  	_ =	sfence.sel $0xFFFF  }
0xc0: {  	[dreg:$0x0] =	wrdreg $0xFFFFFFFF;
	(pc) =	sbr.abs _section_cstart, $3  }
0xc1: {  	[dreg:$0x1] =	wrdreg $0xFFFFFFFF  }
0xc2: {  	_ =	task.clear_ibuf [dreg:s7], $0x2FFFF;
	_ =	strace $0x9FFFFFFF  }
0xc3: {  	(tm) =	ssettm $0x7FFFFFFF  }
tec
execute0_lowered:
.L_overlay_start_1:
0x0: {  	(tag) =	ssettag $0x1  }
0x1: {  	s6 =	rddreg [dreg:$0x0]  }
0x2: {  	s5 =	rddreg [dreg:$0x1]  }
0x3: {  	s7 =	rddreg [dreg:$0x2];
	s2 =	simm.s32 $0x0  }
0x4: {  	s3 =	srdreg.scid;
	s0 =	stileid.u32;
	s15 =	simm.s32 $0x1  }
0x5: {  	s16 =	simm.s32 $0x80;
	s18 =	simm.s32 $0x3;
	s19 =	simm.s32 $0x100  }
0x6: {  	s20 =	simm.s32 $0x180;
	s21 =	simm.s32 $0x2;
	s22 =	simm.s32 $0x400  }
0x7: {  	s23 =	simm.s32 $0x0;
	[smem:$0x7FF] =	sst s2;
	s8 =	sand.u32 $0x1, s3  }
0x8: {  	s25 =	sshll.u32 s0, $0x1;
	s3 =	sadd.s32 $0x400, s5;
	s4 =	sadd.s32 $0xF42800, s5  }
0x9: {  	s28 =	sshll.u32 s0, $0xA;
	s31 =	sshll.u32 s0, $0x6;
	_ =	strace $0x80000047  }
0xa: {  	s9 =	sor.u32 s8, s25;
	s26 =	ssub.s32 $0x2, s8;
	s8 =	sand.u32 $0x3000, s28  }
0xb: {  	s10 =	sshll.u32 s9, $0xD;
	s11 =	sshrl.u32 s26, $0x1;
	s12 =	sshll.u32 s9, $0x7  }
0xc: {  	s7 =	sadd.s32 s8, s7;
	s30 =	sshll.u32 s9, $0x6;
	s10 =	sadd.s32 s10, s5  }
0xd: {  	s11 =	ssub.s32 s26, s11;
	s29 =	sand.u32 $0x380, s12;
	s6 =	sadd.s32 s6, s30  }
0xe: {  	s5 =	sadd.s32 s29, s7;
	s7 =	sor.u32 $0x1C03, s31;
	s8 =	sadd.s32 $0x1E84C00, s10  }
0xf: {  	s9 =	sadd.s32 $0x1E85C00, s10;
	s10 =	smax.u32 s11, $0x1;
	s11 =	sadd.s32 $0x400, s5  }
0x10: {  	s12 =	sadd.s32 $0x800, s5;
	s13 =	sadd.s32 $0xC00, s5;
	s14 =	sshrl.u32 s5, $0x3  }
.LBB2_1:
0x11: {  	s0 =	simm.s32 $0x10  }
0x12: {  	[spmem:s14@s16], [sflag:s7] =	dma.strided [hbm:s6@s0], $0x40, s15, $0x10   }
0x13: {  	_ =	swait.ge [sflag:s18], $0x40  }
0x14: {  	[sflag:s18] =	ssyncset.done $0x0  }
0x15: {  	[sflag:s18] =	ssyncadd.s32 $0xFFFFFFC0  }
0x16: {  	[smem:s2], [sflag:$0x3] =	stream.linear.gather [spmem:s5], $0x80, $0x38;
	[tilespmem:$0x10400] =	vst v63  }
0x17: {  	_ = 	snop  }
0x18: {  	[smem:s16], [sflag:$0x3] =	stream.linear.gather [spmem:s11], $0x80, $0x38;
	[tilespmem:$0x10400] =	vst v63  }
0x19: {  	_ = 	snop  }
0x1a: {  	[smem:s19], [sflag:$0x3] =	stream.linear.gather [spmem:s12], $0x80, $0x38;
	[tilespmem:$0x10400] =	vst v63  }
0x1b: {  	_ = 	snop  }
0x1c: {  	[smem:s20], [sflag:$0x3] =	stream.linear.gather [spmem:s13], $0x80, $0x38;
	[tilespmem:$0x10400] =	vst v63  }
0x1d: {  	_ =	swait.ge [sflag:s18], $0x200  }
0x1e: {  	[sflag:s18] =	ssyncset.done $0x0  }
0x1f: {  	[sflag:s18] =	ssyncadd.s32 $0xFFFFFE00  }
0x20: {  	s25 =	sld [smem:$0x0];
	_ =	sdelay $0x2  }
0x21: {  	s24 =	sshra.s32 s25, $0x1F  }
0x22: {  	s24 =	sshrl.u32 s24, $0x1D  }
0x23: {  	s26 =	sadd.s32 s24, s25  }
0x24: {  	s29 =	sshll.u32 s25, $0x7;
	s28 =	sand.u32 $0xFFFFFFF8, s26  }
0x25: {  	s24 =	simm.s32 $0x200;
	s25 =	ssub.s32 s25, s28;
	s28 =	sand.u32 $0xFFFFFC00, s29  }
0x26: {  	s29 =	sand.u32 $0xFFFFFC00, s25;
	s30 =	sshll.u32 s25, $0x7;
	s25 =	sld [smem:$0x1]  }
0x27: {  	s26 =	simm.s32 $0x1;
	s29 =	sadd.s32 s29, s28;
	s30 =	sand.u32 $0x380, s30  }
0x28: {  	s28 =	simm.s32 $0x400;
	s30 =	sor.u32 s30, s29;
	s29 =	simm.s32 $0x0  }
.LBB2_2:
0x29: {  	p0 =	sne.s32 s28, $0x1FE00;
	s31 =	sshra.s32 s25, $0x1F  }
0x2a: {  	s30 =	sshrl.u32 s30, $0x3;
	s0 =	smov.u32 s24;
	s24 =	smov.u32 s28  }
0x2b: {  	s1 =	sadd.s32 $0x400, s29;
	s31 =	sshrl.u32 s31, $0x1D;
	s17 =	sadd.s32 s3, s30  }
0x2c: {  	[tilespmem:s1], [sflag:$0x1] =	stream.linear.gather [hbm4b:s17+s2], $0x80, $0x38;
	[tilespmem:$0x10400] =	vst v63  }
0x2d: {  	s1 =	sadd.s32 s31, s25;
	s17 =	sadd.s32 $0x8400, s29;
	s29 =	sadd.s32 s4, s30  }
0x2e: {  	[tilespmem:s17], [sflag:$0x2] =	stream.linear.gather [hbm4b:s29+s2], $0x80, $0x38;
	[tilespmem:$0x10400] =	vst v63  }
.Ltmp0:
0x2f: {  	s26 =	sadd.s32 $0x1, s26;
	s1 =	sand.u32 $0xFFFFFFF8, s1;
	(pc) =	sbr.rel @p0 .LBB2_2-.Ltmp0, $4  }
0x30: {  	s17 =	sshll.u32 s25, $0x7;
	s1 =	ssub.s32 s25, s1;
	s25 =	sld [smem:s26+$0x0]  }
0x31: {  	s17 =	sand.u32 $0xFFFFFC00, s17;
	s29 =	sand.u32 $0xFFFFFC00, s1;
	s1 =	sshll.u32 s1, $0x7  }
0x32: {  	s17 =	sadd.s32 s29, s17;
	s1 =	sand.u32 $0x380, s1  }
0x33: {  	s28 =	sadd.s32 $0x200, s28;
	s29 =	sshra.s32 s0, $0x2;
	s30 =	sor.u32 s1, s17  }
0x34: {  	s0 =	sshra.s32 s25, $0x1F;
	s1 =	sshrl.u32 s30, $0x3  }
0x35: {  	s17 =	sadd.s32 $0x400, s29;
	s0 =	sshrl.u32 s0, $0x1D;
	s26 =	sadd.s32 s3, s1  }
0x36: {  	[tilespmem:s17], [sflag:$0x1] =	stream.linear.gather [hbm4b:s26+s2], $0x80, $0x38;
	[tilespmem:$0x10400] =	vst v63  }
0x37: {  	s0 =	sadd.s32 s0, s25  }
0x38: {  	s31 =	sadd.s32 $0x8400, s29;
	s1 =	sadd.s32 s4, s1;
	s0 =	sand.u32 $0xFFFFFFF8, s0  }
0x39: {  	[tilespmem:s31], [sflag:$0x2] =	stream.linear.gather [hbm4b:s1+s2], $0x80, $0x38;
	[tilespmem:$0x10400] =	vst v63  }
0x3a: {  	s26 =	sshll.u32 s25, $0x7;
	s0 =	ssub.s32 s25, s0  }
0x3b: {  	s1 =	sand.u32 $0xFFFFFC00, s26;
	s28 =	sand.u32 $0xFFFFFC00, s0;
	s0 =	sshll.u32 s0, $0x7  }
0x3c: {  	s1 =	sadd.s32 s28, s1;
	s0 =	sand.u32 $0x380, s0  }
0x3d: {  	s0 =	sor.u32 s0, s1  }
0x3e: {  	s29 =	sshra.s32 s24, $0x2;
	s0 =	sshrl.u32 s0, $0x3  }
0x3f: {  	s30 =	sadd.s32 $0x400, s29;
	s31 =	sadd.s32 s3, s0  }
0x40: {  	[tilespmem:s30], [sflag:$0x1] =	stream.linear.gather [hbm4b:s31+s2], $0x80, $0x38;
	[tilespmem:$0x10400] =	vst v63  }
0x41: {  	s1 =	sadd.s32 $0x8400, s29;
	s0 =	sadd.s32 s4, s0  }
0x42: {  	[tilespmem:s1], [sflag:$0x2] =	stream.linear.gather [hbm4b:s0+s2], $0x80, $0x38;
	[tilespmem:$0x10400] =	vst v63  }
0x43: {  	_ =	swait.ge [sflag:s15], $0x8000  }
0x44: {  	[sflag:s15] =	ssyncset.done $0x0  }
0x45: {  	[sflag:s15] =	ssyncadd.s32 $0xFFFF8000  }
0x46: {  	_ =	swait.ge [sflag:s21], $0x8000  }
0x47: {  	[sflag:s21] =	ssyncset.done $0x0  }
0x48: {  	s24 =	simm.s32 $0x0;
	[sflag:s21] =	ssyncadd.s32 $0xFFFF8000  }
0x49: {  	v5 =	vld [tilespmem:s24+$0x8400]  }
0x4a: {  	v6 =	vld [tilespmem:s24+$0x8410]  }
0x4b: {  	v1 =	vld [tilespmem:s24+$0x8420]  }
0x4c: {  	v0 =	vld [tilespmem:s24+$0x8430]  }
0x4d: {  	v2 =	vld [tilespmem:s24+$0x400]  }
0x4e: {  	v4 =	vld [tilespmem:s24+$0x410]  }
0x4f: {  	s25 =	simm.s32 $0x200;
	v3 =	vld [tilespmem:s24+$0x420]  }
.LBB2_4:
0x50: {  	s0 =	sshra.s32 s25, $0x2;
	p0 =	sne.s32 s25, $0x1FE00;
	v7 =	vld [tilespmem:s24+$0x430];
	v8 =	vmov v1  }
0x51: {  	v9 =	vld [tilespmem:s0+$0x8400];
	v10 =	vmov v0  }
0x52: {  	v11 =	vld [tilespmem:s0+$0x8410];
	v2 =	vadd.f32 v5, v2  }
.Ltmp1:
0x53: {  	v1 =	vld [tilespmem:s0+$0x8420];
	v4 =	vadd.f32 v6, v4;
	(pc) =	sbr.rel @p0 .LBB2_4-.Ltmp1, $4  }
0x54: {  	v0 =	vld [tilespmem:s0+$0x8430];
	[tilespmem:s24+$0x400] =	vst v2;
	v3 =	vadd.f32 v8, v3  }
0x55: {  	v2 =	vld [tilespmem:s0+$0x400];
	[tilespmem:s24+$0x410] =	vst v4;
	v7 =	vadd.f32 v10, v7  }
0x56: {  	v4 =	vld [tilespmem:s0+$0x410];
	[tilespmem:s24+$0x420] =	vst v3;
	v5 =	vmov v9  }
0x57: {  	s25 =	sadd.s32 $0x200, s25;
	v3 =	vld [tilespmem:s0+$0x420];
	[tilespmem:s24+$0x430] =	vst v7;
	v6 =	vmov v11;
	s24 =	smov.u32 s0  }
0x58: {  	v7 =	vld [tilespmem:s24+$0x430];
	_ =	sdelay $0x1  }
0x59: {  	v2 =	vadd.f32 v5, v2  }
0x5a: {  	v4 =	vadd.f32 v6, v4  }
0x5b: {  	[tilespmem:s24+$0x400] =	vst v2;
	v1 =	vadd.f32 v1, v3  }
0x5c: {  	[tilespmem:s24+$0x410] =	vst v4;
	v0 =	vadd.f32 v0, v7  }
0x5d: {  	[tilespmem:s24+$0x420] =	vst v1  }
0x5e: {  	s0 =	simm.s32 $0x0;
	[tilespmem:s24+$0x430] =	vst v0;
	s24 =	simm.s32 $0x400  }
0x5f: {  	[hbm4b:s8+s0] =	stream.linear.scatter [tilespmem:s24], [sflag:$0x3], $0x8000, $0x38;
	[tilespmem:$0x10400] =	vst v63  }
0x60: {  	_ =	swait.ge [sflag:s18], $0x8000  }
0x61: {  	s0 =	sand.u32 $0xFF, s0;
	[sflag:s18] =	ssyncset.done $0x0  }
0x62: {  	s0 =	sor.u32 $0x100, s0;
	[sflag:s18] =	ssyncadd.s32 $0xFFFF8000  }
0x63: {  	s0 =	sld [smem:s0+$0x0];
	_ =	sdelay $0x2  }
0x64: {  	s1 =	sshra.s32 s0, $0x1F  }
0x65: {  	s17 =	simm.s32 $0x1;
	s1 =	sshrl.u32 s1, $0x1D  }
0x66: {  	s17 =	sand.u32 $0xFF, s17;
	s1 =	sadd.s32 s1, s0  }
0x67: {  	s17 =	sor.u32 $0x100, s17;
	s1 =	sand.u32 $0xFFFFFFF8, s1  }
0x68: {  	s17 =	sld [smem:s17+$0x0];
	s25 =	sshll.u32 s0, $0x7;
	s0 =	ssub.s32 s0, s1  }
0x69: {  	s25 =	sand.u32 $0xFFFFFC00, s25;
	s26 =	sand.u32 $0xFFFFFC00, s0;
	s0 =	sshll.u32 s0, $0x7  }
0x6a: {  	s1 =	sadd.s32 s26, s25;
	s0 =	sand.u32 $0x380, s0;
	s25 =	simm.s32 $0x8400  }
0x6b: {  	s26 =	simm.s32 $0x2;
	s0 =	sor.u32 s0, s1;
	s1 =	sshra.s32 s17, $0x1F  }
0x6c: {  	s26 =	sand.u32 $0xFF, s26;
	s0 =	sshrl.u32 s0, $0x3;
	s1 =	sshrl.u32 s1, $0x1D  }
0x6d: {  	s26 =	sor.u32 $0x100, s26;
	s28 =	sadd.s32 s3, s0;
	s1 =	sadd.s32 s1, s17  }
0x6e: {  	[tilespmem:s24], [sflag:$0x1] =	stream.linear.gather [hbm4b:s28+s2], $0x80, $0x38;
	[tilespmem:$0x10400] =	vst v63  }
0x6f: {  	s0 =	sadd.s32 s4, s0;
	s28 =	sshll.u32 s17, $0x7;
	s1 =	sand.u32 $0xFFFFFFF8, s1  }
0x70: {  	s26 =	sld [smem:s26+$0x0];
	s29 =	sand.u32 $0xFFFFFC00, s28;
	s17 =	ssub.s32 s17, s1  }
0x71: {  	[tilespmem:s25], [sflag:$0x2] =	stream.linear.gather [hbm4b:s0+s2], $0x80, $0x38;
	[tilespmem:$0x10400] =	vst v63  }
0x72: {  	s28 =	simm.s32 $0x3;
	s30 =	sand.u32 $0xFFFFFC00, s17;
	s31 =	sshll.u32 s17, $0x7  }
.LBB2_6:
0x73: {  	p0 =	sne.s32 s28, $0xFF;
	s0 =	sadd.s32 s30, s29;
	s1 =	sand.u32 $0x380, s31  }
0x74: {  	s0 =	sor.u32 s1, s0;
	s1 =	sshra.s32 s26, $0x1F  }
0x75: {  	s24 =	sadd.s32 $0x80, s24;
	s0 =	sshrl.u32 s0, $0x3;
	s1 =	sshrl.u32 s1, $0x1D  }
0x76: {  	s25 =	sadd.s32 $0x80, s25;
	s17 =	sadd.s32 s3, s0;
	s1 =	sadd.s32 s1, s26  }
0x77: {  	[tilespmem:s24], [sflag:$0x1] =	stream.linear.gather [hbm4b:s17+s2], $0x80, $0x38;
	[tilespmem:$0x10400] =	vst v63  }
.Ltmp2:
0x78: {  	s0 =	sadd.s32 s4, s0;
	s17 =	sand.u32 $0xFF, s28;
	(pc) =	sbr.rel @p0 .LBB2_6-.Ltmp2, $4  }
0x79: {  	[tilespmem:s25], [sflag:$0x2] =	stream.linear.gather [hbm4b:s0+s2], $0x80, $0x38;
	[tilespmem:$0x10400] =	vst v63  }
0x7a: {  	s1 =	sand.u32 $0xFFFFFFF8, s1;
	s0 =	sor.u32 $0x100, s17;
	s17 =	sshll.u32 s26, $0x7  }
0x7b: {  	s1 =	ssub.s32 s26, s1;
	s29 =	sand.u32 $0xFFFFFC00, s17;
	s26 =	sld [smem:s0+$0x0]  }
0x7c: {  	s28 =	sadd.s32 $0x1, s28;
	s30 =	sand.u32 $0xFFFFFC00, s1;
	s31 =	sshll.u32 s1, $0x7  }
0x7d: {  	s0 =	sadd.s32 s30, s29;
	s1 =	sand.u32 $0x380, s31  }
0x7e: {  	s0 =	sor.u32 s1, s0;
	s29 =	sshra.s32 s26, $0x1F  }
0x7f: {  	s0 =	sshrl.u32 s0, $0x3;
	s1 =	sshrl.u32 s29, $0x1D  }
0x80: {  	s17 =	sadd.s32 $0x80, s24;
	s30 =	sadd.s32 s3, s0;
	s1 =	sadd.s32 s1, s26  }
0x81: {  	[tilespmem:s17], [sflag:$0x1] =	stream.linear.gather [hbm4b:s30+s2], $0x80, $0x38;
	[tilespmem:$0x10400] =	vst v63  }
0x82: {  	s31 =	sadd.s32 $0x80, s25;
	s0 =	sadd.s32 s4, s0;
	s1 =	sand.u32 $0xFFFFFFF8, s1  }
0x83: {  	[tilespmem:s31], [sflag:$0x2] =	stream.linear.gather [hbm4b:s0+s2], $0x80, $0x38;
	[tilespmem:$0x10400] =	vst v63  }
0x84: {  	s25 =	sshll.u32 s26, $0x7;
	s0 =	ssub.s32 s26, s1  }
0x85: {  	s1 =	sand.u32 $0xFFFFFC00, s25;
	s28 =	sand.u32 $0xFFFFFC00, s0;
	s0 =	sshll.u32 s0, $0x7  }
0x86: {  	s1 =	sadd.s32 s28, s1;
	s0 =	sand.u32 $0x380, s0  }
0x87: {  	s0 =	sor.u32 s0, s1  }
0x88: {  	s0 =	sshrl.u32 s0, $0x3  }
0x89: {  	s29 =	sadd.s32 $0x80, s17;
	s30 =	sadd.s32 s3, s0  }
0x8a: {  	[tilespmem:s29], [sflag:$0x1] =	stream.linear.gather [hbm4b:s30+s2], $0x80, $0x38;
	[tilespmem:$0x10400] =	vst v63  }
0x8b: {  	s31 =	sadd.s32 $0x80, s31;
	s0 =	sadd.s32 s4, s0  }
0x8c: {  	[tilespmem:s31], [sflag:$0x2] =	stream.linear.gather [hbm4b:s0+s2], $0x80, $0x38;
	[tilespmem:$0x10400] =	vst v63  }
0x8d: {  	_ =	swait.ge [sflag:s15], $0x8000  }
0x8e: {  	[sflag:s15] =	ssyncset.done $0x0  }
0x8f: {  	[sflag:s15] =	ssyncadd.s32 $0xFFFF8000  }
0x90: {  	_ =	swait.ge [sflag:s21], $0x8000  }
0x91: {  	[sflag:s21] =	ssyncset.done $0x0  }
0x92: {  	s24 =	simm.s32 $0x0;
	[sflag:s21] =	ssyncadd.s32 $0xFFFF8000  }
0x93: {  	v5 =	vld [tilespmem:s24+$0x8400]  }
0x94: {  	v6 =	vld [tilespmem:s24+$0x8410]  }
0x95: {  	v1 =	vld [tilespmem:s24+$0x8420]  }
0x96: {  	v0 =	vld [tilespmem:s24+$0x8430]  }
0x97: {  	v2 =	vld [tilespmem:s24+$0x400]  }
0x98: {  	v4 =	vld [tilespmem:s24+$0x410]  }
0x99: {  	s25 =	simm.s32 $0x200;
	v3 =	vld [tilespmem:s24+$0x420]  }
.LBB2_8:
0x9a: {  	s0 =	sshra.s32 s25, $0x2;
	p0 =	sne.s32 s25, $0x1FE00;
	v7 =	vld [tilespmem:s24+$0x430];
	v8 =	vmov v1  }
0x9b: {  	v9 =	vld [tilespmem:s0+$0x8400];
	v10 =	vmov v0  }
0x9c: {  	v11 =	vld [tilespmem:s0+$0x8410];
	v2 =	vadd.f32 v5, v2  }
.Ltmp3:
0x9d: {  	v1 =	vld [tilespmem:s0+$0x8420];
	v4 =	vadd.f32 v6, v4;
	(pc) =	sbr.rel @p0 .LBB2_8-.Ltmp3, $4  }
0x9e: {  	v0 =	vld [tilespmem:s0+$0x8430];
	[tilespmem:s24+$0x400] =	vst v2;
	v3 =	vadd.f32 v8, v3  }
0x9f: {  	v2 =	vld [tilespmem:s0+$0x400];
	[tilespmem:s24+$0x410] =	vst v4;
	v7 =	vadd.f32 v10, v7  }
0xa0: {  	v4 =	vld [tilespmem:s0+$0x410];
	[tilespmem:s24+$0x420] =	vst v3;
	v5 =	vmov v9  }
0xa1: {  	s25 =	sadd.s32 $0x200, s25;
	v3 =	vld [tilespmem:s0+$0x420];
	[tilespmem:s24+$0x430] =	vst v7;
	v6 =	vmov v11;
	s24 =	smov.u32 s0  }
0xa2: {  	v7 =	vld [tilespmem:s24+$0x430];
	_ =	sdelay $0x1  }
0xa3: {  	v2 =	vadd.f32 v5, v2  }
0xa4: {  	v4 =	vadd.f32 v6, v4  }
0xa5: {  	[tilespmem:s24+$0x400] =	vst v2;
	v1 =	vadd.f32 v1, v3  }
0xa6: {  	s23 =	sadd.s32 $0x1, s23;
	[tilespmem:s24+$0x410] =	vst v4;
	v0 =	vadd.f32 v0, v7  }
0xa7: {  	p0 =	sne.s32 s23, s10;
	[tilespmem:s24+$0x420] =	vst v1  }
.Ltmp4:
0xa8: {  	[tilespmem:s24+$0x430] =	vst v0;
	(pc) =	sbr.rel @p0 .LBB2_1-.Ltmp4, $4  }
0xa9: {  	[hbm4b:s9+s2] =	stream.linear.scatter [tilespmem:s22], [sflag:$0x3], $0x8000, $0x38;
	[tilespmem:$0x10400] =	vst v63  }
0xaa: {  	_ =	swait.ge [sflag:s18], $0x8000  }
0xab: {  	[sflag:s18] =	ssyncset.done $0x0  }
0xac: {  	[sflag:s18] =	ssyncadd.s32 $0xFFFF8000  }
0xad: {  	_ =	sfence.sel $0x180000  }
0xae: {  	[bflag:$0x0] =	sbarrier.arrive $0xFFFF  }
0xaf: {  	_ =	strace $0x90000047  }
0xb0: {  	s0 =	stileid.u32;
	[bflag:$0x2] =	sbarrier.arrive $0xFFFF  }
0xb1: {  	p0 =	sne.s32 s0, $0x0;
	s0 =	rddreg [dreg:$0x3]  }
0xb2: {  	s0 =	sadd.s32 @!p0 $0x100000, s0  }
0xb3: {  	[sflag:s0] =	ssyncadd.tile.s32 @!p0 $0x1;
	_ =	shalt  }
.Lfunc_end2:
_tile_overlayer_lowered:
.L_overlay_start_2:
0xb4: {  	(tag) =	ssettag $0x2  }
0xb5: {  	s0 =	rddreg [dreg:$0x0];
	s2 =	stileid.u32  }
0xb6: {  	s1 =	rddreg [dreg:$0x1];
	p0 =	sne.s32 s2, $0x0  }
0xb7: {  	s3 =	rddreg [dreg:$0x2];
	[bflag:$0x3] =	sbarrier.arrive $0xFFFF;
	s2 =	simm.s32 @!p0 $0x1C03  }
0xb8: {  	[timem:s3], [sflag:s2] =	dma.local @!p0 [hbm:s0], s1  }
0xb9: {  	s0 =	simm.s32 @!p0 $0x3  }
0xba: {  	_ =	swait.ge @!p0 [sflag:s0], s1  }
0xbb: {  	s1 =	ssub.s32 @!p0 $0x0, s1;
	[sflag:s0] =	ssyncset.done @!p0 $0x0  }
0xbc: {  	[sflag:s0] =	ssyncadd.s32 @!p0 s1  }
0xbd: {  	[bflag:$0x3] =	sbarrier.arrive $0xFFFF  }
0xbe: {  	_ =	shalt  }

</sc_bundles>
